<compile_context>
chip_gen: v7x
topology: tpu7x:2x2x1
jax: 0.10.2.dev20260603
libtpu: 0.0.44.dev20260713+nightly
codegen_flags: <defaults>
</compile_context>

<pallas_src>
import functools

import jax
import jax.numpy as jnp
from jax import lax
from jax.experimental import pallas as pl
from jax.experimental.pallas import tpu as pltpu
from jax.experimental.pallas import tpu_sc as plsc

SMOOTHING = 0.1
ROW_BLOCK = 32
LOG2E = 1.4426950408889634

_NC, _NS, _LANES = 2, 16, 16
_NW = _NC * _NS


def _sweep_kernel(x_ref, out_ref):
    i = pl.program_id(0)
    x = x_ref[...]
    a = jnp.maximum(x, -x)
    e = jnp.exp2(a * (-LOG2E))
    lg = jnp.log(1.0 + e)
    s_l = jnp.sum(lg)
    s_a = jnp.sum(a)
    s_x = jnp.sum(x)
    out_ref[i, 0] = s_l + 0.5 * s_a + (0.5 - SMOOTHING) * s_x


def _make_gather(b, c):
    bpw = b // _NW
    half = bpw // _LANES

    @functools.partial(
        pl.kernel,
        mesh=plsc.VectorSubcoreMesh(core_axis_name="c", subcore_axis_name="s"),
        out_type=jax.ShapeDtypeStruct((b, 128), jnp.float32),
        scratch_types=[
            pltpu.VMEM((bpw,), jnp.int32),
            pltpu.VMEM((bpw,), jnp.int32),
            pltpu.VMEM((bpw, 128), jnp.float32),
            pltpu.SemaphoreType.DMA,
        ],
    )
    def gather(pred128_hbm, tgt_hbm, rows_out_hbm, tgt_v, row_v, rows_v, sem):
        wid = lax.axis_index("s") * _NC + lax.axis_index("c")
        base = wid * bpw
        pltpu.sync_copy(tgt_hbm.at[pl.ds(base, bpw)], tgt_v)
        for s in range(half):
            t = tgt_v[pl.ds(s * _LANES, _LANES)]
            row_b = base + s * _LANES + lax.iota(jnp.int32, _LANES)
            addr = row_b * c + t
            row_v[pl.ds(s * _LANES, _LANES)] = addr >> 7
        pltpu.async_copy(pred128_hbm.at[row_v], rows_v, sem).wait()
        pltpu.sync_copy(rows_v, rows_out_hbm.at[pl.ds(base, bpw)])

    return gather


def _pick_kernel(c, tgt_ref, rows_ref, out_ref):
    t = tgt_ref[...]
    rows = rows_ref[...]
    b = rows.shape[0]
    rid = lax.broadcasted_iota(jnp.int32, (b, 1), 0)
    lane = (rid * c + t) & 127
    col = lax.broadcasted_iota(jnp.int32, (b, 128), 1)
    out_ref[0, 0] = jnp.sum(jnp.where(col == lane, rows, 0.0))


@functools.partial(jax.jit, static_argnames=("interpret",))
def kernel(pred, target, interpret: bool = False):
    b, c = pred.shape
    nb = b // ROW_BLOCK
    partials = pl.pallas_call(
        _sweep_kernel,
        grid=(nb,),
        in_specs=[pl.BlockSpec((ROW_BLOCK, c), lambda i: (i, 0))],
        out_specs=pl.BlockSpec(memory_space=pltpu.SMEM),
        out_shape=jax.ShapeDtypeStruct((nb, 1), jnp.float32),
        compiler_params=pltpu.CompilerParams(
            dimension_semantics=("arbitrary",),
        ),
        interpret=interpret,
    )(pred)
    tgt = target.astype(jnp.int32).reshape(b, 1)
    if interpret:
        s_hit = jnp.sum(jnp.take_along_axis(pred, tgt, axis=1))
    else:
        pred128 = pred.reshape(b * c // 128, 128)
        rows = _make_gather(b, c)(pred128, tgt.reshape(b))
        s_hit = pl.pallas_call(
            functools.partial(_pick_kernel, c),
            in_specs=[
                pl.BlockSpec((b, 1), lambda: (0, 0)),
                pl.BlockSpec((b, 128), lambda: (0, 0)),
            ],
            out_specs=pl.BlockSpec(memory_space=pltpu.SMEM),
            out_shape=jax.ShapeDtypeStruct((1, 1), jnp.float32),
        )(tgt, rows)[0, 0]
    total = jnp.sum(partials) - (1.0 - 2.0 * SMOOTHING) * s_hit
    return (total / (b * c)).astype(pred.dtype)

# --- scband reference (transcript-rebuilt; emitter-appended) ---
"""Pipeline reference for scband-label-smoothing-loss-27281632264383 (READ-ONLY COPY).

The authoritative reference and input builder live on the scoring server;
editing this copy changes nothing except your own understanding.
"""

import jax, jax.numpy as jnp
import numpy as np

SMOOTHING = 0.1
B, C = 1024, 100000

def setup_inputs(seed: int = 0) -> dict:
    key = jax.random.key(seed)
    k1, k2 = jax.random.split(key)
    pred = jax.random.normal(k1, (B, C), dtype=jnp.float32)
    target = jax.random.randint(k2, (B, 1), 0, C, dtype=jnp.int64)
    return {"pred": pred, "target": target}

def _bce_with_logits_mean(x, z):
    # numerically stable binary_cross_entropy_with_logits, reduction='mean'
    return jnp.mean(jnp.clip(x, 0.0, None) - x * z + jnp.log1p(jnp.exp(-jnp.abs(x))))

def reference(pred, target):
    # pred: [B, C] -> [B, C, 1]; target: [B, 1] -> [B, 1, 1]
    x = pred[..., None]
    t = target[..., None]
    smooth = jnp.full(x.shape, SMOOTHING, dtype=x.dtype)
    b = x.shape[0]
    # scatter_(dim=1, index=t, value=1-smoothing): for each row b, smooth[b, t[b,0,0], 0] = 1 - smoothing
    smooth = smooth.at[jnp.arange(b), t[:, 0, 0].astype(jnp.int32), 0].set(1.0 - SMOOTHING)
    loss = _bce_with_logits_mean(x, smooth)
    return loss

if __name__ == "__main__":
    import jax
    _d = setup_inputs()
    print(jax.jit(kernel)(*tuple(_d.values())))

</pallas_src>

<mosaic_0001>
#map = affine_map<(d0, d1) -> (0, 0)>
#map1 = affine_map<(d0, d1) -> (0)>
module attributes {stable_mosaic.version = 14 : i64} {
  func.func @gather(%arg0: i32, %arg1: i32, %arg2: memref<800000x128xf32, #tpu.memory_space<hbm>>, %arg3: memref<1024xi32, #tpu.memory_space<hbm>>, %arg4: memref<1024x128xf32, #tpu.memory_space<hbm>>, %arg5: memref<32xi32, #tpu.memory_space<vmem>>, %arg6: memref<32xi32, #tpu.memory_space<vmem>>, %arg7: memref<32x128xf32, #tpu.memory_space<vmem>>, %arg8: memref<!tpu.dma_semaphore, #tpu.memory_space<semaphore_mem>>) attributes {dimension_semantics = [#tpu.dimension_semantics<core_parallel>, #tpu.dimension_semantics<subcore_parallel>], iteration_bounds = array<i64: 2, 16>, scalar_prefetch = 0 : i64, scratch_operands = 4 : i64, tpu.core_type = #tpu.core_type<sc_vector_subcore>, window_params = [{transform_indices = #map}, {transform_indices = #map1}, {transform_indices = #map}]} {
    %mul3A = arith.constant 2 : i32
    %mul3A_0 = arith.muli %arg1, %mul3A : i32
    %add3A = arith.addi %mul3A_0, %arg0 : i32
    %mul3A_1 = arith.constant 32 : i32
    %mul3A_2 = arith.muli %add3A, %mul3A_1 : i32
    "tpu.region"() ({
      %run_scoped3A = tpu.sem_alloc : memref<!tpu.dma_semaphore, #tpu.memory_space<semaphore_mem>>
      %dma_start3A_41 = tpu.memref_slice %arg3[%mul3A_2] : memref<1024xi32, #tpu.memory_space<hbm>> -> memref<32xi32, #tpu.memory_space<hbm>>
      %dma_start3A_42 = tpu.memref_slice %arg3[%mul3A_2] : memref<1024xi32, #tpu.memory_space<hbm>> -> memref<32xi32, #tpu.memory_space<hbm>>
      tpu.enqueue_dma source(%dma_start3A_42 : memref<32xi32, #tpu.memory_space<hbm>>) target(%arg5 : memref<32xi32, #tpu.memory_space<vmem>>) target_semaphore(%run_scoped3A : memref<!tpu.dma_semaphore, #tpu.memory_space<semaphore_mem>>)
      %dma_wait3A_43 = tpu.memref_slice %arg3[%mul3A_2] : memref<1024xi32, #tpu.memory_space<hbm>> -> memref<32xi32, #tpu.memory_space<hbm>>
      %dma_wait3A_44 = tpu.memref_slice %arg3[%mul3A_2] : memref<1024xi32, #tpu.memory_space<hbm>> -> memref<32xi32, #tpu.memory_space<hbm>>
      tpu.wait_dma2 semaphore(%run_scoped3A : memref<!tpu.dma_semaphore, #tpu.memory_space<semaphore_mem>>) src(%dma_wait3A_44 : memref<32xi32, #tpu.memory_space<hbm>>) dst(%arg5 : memref<32xi32, #tpu.memory_space<vmem>>)
      tpu.yield
    }) : () -> ()
    %get3A = arith.constant 0 : index
    %get3A_3 = tpu.vector_load %arg5[%get3A] {strides = array<i32>} : memref<32xi32, #tpu.memory_space<vmem>>, vector<16xi32>,
    %get3A_4 = vector.shape_cast %get3A_3 : vector<16xi32> to vector<16xi32>
    %add3A_5 = arith.constant 0 : i32
    %add3A_6 = arith.addi %mul3A_2, %add3A_5 : i32
    %iota3A = tpu.iota {dimensions = array<i32: 0>} : vector<16xi32>
    %add3A_7 = vector.broadcast %add3A_6 : i32 to vector<16xi32>
    %add3A_8 = arith.addi %add3A_7, %iota3A : vector<16xi32>
    %mul3A_9 = arith.constant 100000 : i32
    %mul3A_10 = vector.broadcast %mul3A_9 : i32 to vector<16xi32>
    %mul3A_11 = arith.muli %add3A_8, %mul3A_10 : vector<16xi32>
    %add3A_12 = arith.addi %mul3A_11, %get3A_4 : vector<16xi32>
    %shift_right_arithmetic3A = arith.constant 7 : i32
    %shift_right_arithmetic3A_13 = vector.broadcast %shift_right_arithmetic3A : i32 to vector<16xi32>
    %shift_right_arithmetic3A_14 = arith.shrsi %add3A_12, %shift_right_arithmetic3A_13 : vector<16xi32>
    %swap3A = arith.constant 0 : index
    %swap3A_15 = tpu.vector_load %arg6[%swap3A] {strides = array<i32>} : memref<32xi32, #tpu.memory_space<vmem>>, vector<16xi32>,
    %swap3A_16 = vector.shape_cast %swap3A_15 : vector<16xi32> to vector<16xi32>
    %swap3A_17 = vector.shape_cast %shift_right_arithmetic3A_14 : vector<16xi32> to vector<16xi32>
    tpu.vector_store %arg6[%swap3A], %swap3A_17 {strides = array<i32>} : memref<32xi32, #tpu.memory_space<vmem>>, vector<16xi32>,
    %get3A_18 = arith.constant 16 : index
    %get3A_19 = tpu.vector_load %arg5[%get3A_18] {strides = array<i32>} : memref<32xi32, #tpu.memory_space<vmem>>, vector<16xi32>,
    %get3A_20 = vector.shape_cast %get3A_19 : vector<16xi32> to vector<16xi32>
    %add3A_21 = arith.constant 16 : i32
    %add3A_22 = arith.addi %mul3A_2, %add3A_21 : i32
    %iota3A_23 = tpu.iota {dimensions = array<i32: 0>} : vector<16xi32>
    %add3A_24 = vector.broadcast %add3A_22 : i32 to vector<16xi32>
    %add3A_25 = arith.addi %add3A_24, %iota3A_23 : vector<16xi32>
    %mul3A_26 = arith.constant 100000 : i32
    %mul3A_27 = vector.broadcast %mul3A_26 : i32 to vector<16xi32>
    %mul3A_28 = arith.muli %add3A_25, %mul3A_27 : vector<16xi32>
    %add3A_29 = arith.addi %mul3A_28, %get3A_20 : vector<16xi32>
    %shift_right_arithmetic3A_30 = arith.constant 7 : i32
    %shift_right_arithmetic3A_31 = vector.broadcast %shift_right_arithmetic3A_30 : i32 to vector<16xi32>
    %shift_right_arithmetic3A_32 = arith.shrsi %add3A_29, %shift_right_arithmetic3A_31 : vector<16xi32>
    %swap3A_33 = arith.constant 16 : index
    %swap3A_34 = tpu.vector_load %arg6[%swap3A_33] {strides = array<i32>} : memref<32xi32, #tpu.memory_space<vmem>>, vector<16xi32>,
    %swap3A_35 = vector.shape_cast %swap3A_34 : vector<16xi32> to vector<16xi32>
    %swap3A_36 = vector.shape_cast %shift_right_arithmetic3A_32 : vector<16xi32> to vector<16xi32>
    tpu.vector_store %arg6[%swap3A_33], %swap3A_36 {strides = array<i32>} : memref<32xi32, #tpu.memory_space<vmem>>, vector<16xi32>,
    %dma_start3A = arith.constant 0 : i32
    %dma_start3A_37 = arith.constant 0 : i32
    %dma_start3A_38 = tpu.memref_slice %arg2[%dma_start3A, %dma_start3A_37] : memref<800000x128xf32, #tpu.memory_space<hbm>> -> memref<800000x128xf32, #tpu.memory_space<hbm>>
    tpu.enqueue_indirect_dma source(%dma_start3A_38 : memref<800000x128xf32, #tpu.memory_space<hbm>>) target(%arg7 : memref<32x128xf32, #tpu.memory_space<vmem>>) offsets(%arg6 : memref<32xi32, #tpu.memory_space<vmem>>) semaphore(%arg8 : memref<!tpu.dma_semaphore, #tpu.memory_space<semaphore_mem>>)
    %dma_wait3A = arith.constant 0 : i32
    %dma_wait3A_39 = arith.constant 0 : i32
    %dma_wait3A_40 = tpu.memref_slice %arg2[%dma_wait3A, %dma_wait3A_39] : memref<800000x128xf32, #tpu.memory_space<hbm>> -> memref<800000x128xf32, #tpu.memory_space<hbm>>
    tpu.wait_indirect_dma semaphore(%arg8 : memref<!tpu.dma_semaphore, #tpu.memory_space<semaphore_mem>>) src(%dma_wait3A_40 : memref<800000x128xf32, #tpu.memory_space<hbm>>) dst(%arg7 : memref<32x128xf32, #tpu.memory_space<vmem>>)
    "tpu.region"() ({
      %run_scoped3A = tpu.sem_alloc : memref<!tpu.dma_semaphore, #tpu.memory_space<semaphore_mem>>
      %dma_start3A_41 = arith.constant 0 : i32
      %dma_start3A_42 = tpu.memref_slice %arg4[%mul3A_2, %dma_start3A_41] : memref<1024x128xf32, #tpu.memory_space<hbm>> -> memref<32x128xf32, #tpu.memory_space<hbm>>
      %dma_start3A_43 = arith.constant 0 : i32
      %dma_start3A_44 = tpu.memref_slice %arg4[%mul3A_2, %dma_start3A_43] : memref<1024x128xf32, #tpu.memory_space<hbm>> -> memref<32x128xf32, #tpu.memory_space<hbm>>
      tpu.enqueue_dma source(%arg7 : memref<32x128xf32, #tpu.memory_space<vmem>>) target(%dma_start3A_44 : memref<32x128xf32, #tpu.memory_space<hbm>>) target_semaphore(%run_scoped3A : memref<!tpu.dma_semaphore, #tpu.memory_space<semaphore_mem>>)
      %dma_wait3A_45 = arith.constant 0 : i32
      %dma_wait3A_46 = tpu.memref_slice %arg4[%mul3A_2, %dma_wait3A_45] : memref<1024x128xf32, #tpu.memory_space<hbm>> -> memref<32x128xf32, #tpu.memory_space<hbm>>
      %dma_wait3A_47 = arith.constant 0 : i32
      %dma_wait3A_48 = tpu.memref_slice %arg4[%mul3A_2, %dma_wait3A_47] : memref<1024x128xf32, #tpu.memory_space<hbm>> -> memref<32x128xf32, #tpu.memory_space<hbm>>
      tpu.wait_dma2 semaphore(%run_scoped3A : memref<!tpu.dma_semaphore, #tpu.memory_space<semaphore_mem>>) src(%arg7 : memref<32x128xf32, #tpu.memory_space<vmem>>) dst(%dma_wait3A_48 : memref<32x128xf32, #tpu.memory_space<hbm>>)
      tpu.yield
    }) : () -> ()
    return
  }
}

module attributes {stable_mosaic.version = 14 : i64} {
  func.func @_sweep_kernel(%arg0: i32, %arg1: memref<32x100000xf32, #tpu.memory_space<vmem>>, %arg2: memref<32x1xf32, #tpu.memory_space<smem>>) attributes {dimension_semantics = [#tpu.dimension_semantics<arbitrary>], iteration_bounds = array<i64: 32>, scalar_prefetch = 0 : i64, scratch_operands = 0 : i64, tpu.core_type = #tpu.core_type<tc>, window_params = [{transform_indices = @transform_0, window_bounds = array<i64: 32, 100000>}, {transform_indices = @transform_1, window_bounds = array<i64: 32, 1>}]} {
    %get3A = arith.constant 0 : index
    %get3A_0 = arith.constant 0 : index
    %get3A_1 = vector.load %arg1[%get3A, %get3A_0] : memref<32x100000xf32, #tpu.memory_space<vmem>>, vector<32x100000xf32>
    %neg3A = arith.constant 0.000000e+00 : f32
    %neg3A_2 = vector.broadcast %neg3A : f32 to vector<32x100000xf32>
    %neg3A_3 = arith.subf %neg3A_2, %get3A_1 : vector<32x100000xf32>
    %max3A = arith.maximumf %get3A_1, %neg3A_3 : vector<32x100000xf32>
    %mul3A = arith.constant -1.44269502 : f32
    %mul3A_4 = vector.broadcast %mul3A : f32 to vector<32x100000xf32>
    %mul3A_5 = arith.mulf %max3A, %mul3A_4 : vector<32x100000xf32>
    %exp23A = math.exp2 %mul3A_5 : vector<32x100000xf32>
    %add3A = arith.constant 1.000000e+00 : f32
    %add3A_6 = vector.broadcast %add3A : f32 to vector<32x100000xf32>
    %add3A_7 = arith.addf %add3A_6, %exp23A : vector<32x100000xf32>
    %log3A = math.log %add3A_7 : vector<32x100000xf32>
    %reduce_sum3A = vector.shape_cast %log3A : vector<32x100000xf32> to vector<1x32x100000xf32>
    %reduce_sum3A_8 = arith.constant dense<0.000000e+00> : vector<1xf32>
    %reduce_sum3A_9 = vector.multi_reduction <add>, %reduce_sum3A, %reduce_sum3A_8 [1, 2] : vector<1x32x100000xf32> to vector<1xf32>
    %reduce_sum3A_10 = vector.shape_cast %reduce_sum3A_9 : vector<1xf32> to vector<1x1x1xf32>
    %reduce_sum3A_11 = vector.extract %reduce_sum3A_10[0, 0, 0] : f32 from vector<1x1x1xf32>
    %reduce_sum3A_12 = vector.shape_cast %max3A : vector<32x100000xf32> to vector<1x32x100000xf32>
    %reduce_sum3A_13 = arith.constant dense<0.000000e+00> : vector<1xf32>
    %reduce_sum3A_14 = vector.multi_reduction <add>, %reduce_sum3A_12, %reduce_sum3A_13 [1, 2] : vector<1x32x100000xf32> to vector<1xf32>
    %reduce_sum3A_15 = vector.shape_cast %reduce_sum3A_14 : vector<1xf32> to vector<1x1x1xf32>
    %reduce_sum3A_16 = vector.extract %reduce_sum3A_15[0, 0, 0] : f32 from vector<1x1x1xf32>
    %reduce_sum3A_17 = vector.shape_cast %get3A_1 : vector<32x100000xf32> to vector<1x32x100000xf32>
    %reduce_sum3A_18 = arith.constant dense<0.000000e+00> : vector<1xf32>
    %reduce_sum3A_19 = vector.multi_reduction <add>, %reduce_sum3A_17, %reduce_sum3A_18 [1, 2] : vector<1x32x100000xf32> to vector<1xf32>
    %reduce_sum3A_20 = vector.shape_cast %reduce_sum3A_19 : vector<1xf32> to vector<1x1x1xf32>
    %reduce_sum3A_21 = vector.extract %reduce_sum3A_20[0, 0, 0] : f32 from vector<1x1x1xf32>
    %mul3A_22 = arith.constant 5.000000e-01 : f32
    %mul3A_23 = arith.mulf %mul3A_22, %reduce_sum3A_16 : f32
    %add3A_24 = arith.addf %reduce_sum3A_11, %mul3A_23 : f32
    %mul3A_25 = arith.constant 4.000000e-01 : f32
    %mul3A_26 = arith.mulf %mul3A_25, %reduce_sum3A_21 : f32
    %add3A_27 = arith.addf %add3A_24, %mul3A_26 : f32
    %swap3A = arith.index_cast %arg0 : i32 to index
    %swap3A_28 = arith.constant 0 : index
    %swap3A_29 = memref.load %arg2[%swap3A, %swap3A_28] : memref<32x1xf32, #tpu.memory_space<smem>>
    memref.store %add3A_27, %arg2[%swap3A, %swap3A_28] : memref<32x1xf32, #tpu.memory_space<smem>>
    return
  }
  func.func @transform_0(%arg0: i32) -> (i32, i32) {
    %c0_i32 = arith.constant 0 : i32
    %c0_i32_0 = arith.constant 0 : i32
    return %arg0, %c0_i32 : i32, i32
  }
  func.func @transform_1(%arg0: i32) -> (i32, i32) {
    %c0_i32 = arith.constant 0 : i32
    %c0_i32_0 = arith.constant 0 : i32
    %c0_i32_1 = arith.constant 0 : i32
    return %c0_i32, %c0_i32_0 : i32, i32
  }
}

module attributes {stable_mosaic.version = 14 : i64} {
  func.func @_pick_kernel(%arg0: memref<1024x1xi32, #tpu.memory_space<vmem>>, %arg1: memref<1024x128xf32, #tpu.memory_space<vmem>>, %arg2: memref<1x1xf32, #tpu.memory_space<smem>>) attributes {dimension_semantics = [], scalar_prefetch = 0 : i64, scratch_operands = 0 : i64, tpu.core_type = #tpu.core_type<tc>} {
    %get3A = arith.constant 0 : index
    %get3A_0 = arith.constant 0 : index
    %get3A_1 = vector.load %arg0[%get3A, %get3A_0] : memref<1024x1xi32, #tpu.memory_space<vmem>>, vector<1024x1xi32>
    %get3A_2 = arith.constant 0 : index
    %get3A_3 = arith.constant 0 : index
    %get3A_4 = vector.load %arg1[%get3A_2, %get3A_3] : memref<1024x128xf32, #tpu.memory_space<vmem>>, vector<1024x128xf32>
    %iota3A = tpu.iota {dimensions = array<i32: 0>} : vector<1024x1xi32>
    %mul3A = arith.constant 100000 : i32
    %mul3A_5 = vector.broadcast %mul3A : i32 to vector<1024x1xi32>
    %mul3A_6 = arith.muli %iota3A, %mul3A_5 : vector<1024x1xi32>
    %add3A = arith.addi %mul3A_6, %get3A_1 : vector<1024x1xi32>
    %and3A = arith.constant 127 : i32
    %and3A_7 = vector.broadcast %and3A : i32 to vector<1024x1xi32>
    %and3A_8 = arith.andi %add3A, %and3A_7 : vector<1024x1xi32>
    %iota3A_9 = tpu.iota {dimensions = array<i32: 1>} : vector<1024x128xi32>
    %eq3A = vector.broadcast %and3A_8 : vector<1024x1xi32> to vector<1024x128xi32>
    %eq3A_10 = arith.cmpi eq, %iota3A_9, %eq3A : vector<1024x128xi32>
    %jit3A = arith.constant 0.000000e+00 : f32
    %broadcast_in_dim3A = vector.broadcast %jit3A : f32 to vector<1024x128xf32>
    %select_n3A = arith.select %eq3A_10, %get3A_4, %broadcast_in_dim3A : vector<1024x128xi1>, vector<1024x128xf32>
    %reduce_sum3A = vector.shape_cast %select_n3A : vector<1024x128xf32> to vector<1x1024x128xf32>
    %reduce_sum3A_11 = arith.constant dense<0.000000e+00> : vector<1xf32>
    %reduce_sum3A_12 = vector.multi_reduction <add>, %reduce_sum3A, %reduce_sum3A_11 [1, 2] : vector<1x1024x128xf32> to vector<1xf32>
    %reduce_sum3A_13 = vector.shape_cast %reduce_sum3A_12 : vector<1xf32> to vector<1x1x1xf32>
    %reduce_sum3A_14 = vector.extract %reduce_sum3A_13[0, 0, 0] : f32 from vector<1x1x1xf32>
    %swap3A = arith.constant 0 : index
    %swap3A_15 = arith.constant 0 : index
    %swap3A_16 = memref.load %arg2[%swap3A, %swap3A_15] : memref<1x1xf32, #tpu.memory_space<smem>>
    memref.store %reduce_sum3A_14, %arg2[%swap3A, %swap3A_15] : memref<1x1xf32, #tpu.memory_space<smem>>
    return
  }
}

</mosaic_0001>

<sc_bundles>
// kernel: kernel.5.cloned.1.call-start
scs
__scs_entry_jumppad:
0x0: {  	(pc) =	sbr.rel $0x88, $3  }
0x1: {  	(tag) =	ssettag $0x0;
	lr =	simm.s32 $0x1  }
0x2: {  	[smem:$0x3F9F] =	sst lr;
	_ =	strace $0xD0000000  }
0x3: {  	_ = 	snop  }
0x4: {  	_ = 	snop  }
0x5: {  	_ = 	snop  }
0x6: {  	_ = 	snop  }
0x7: {  	_ = 	snop  }
__scs_overlays_trampoline_lowered:
0x8: {  	[smem:$0x3FAE] =	sst s0  }
0x9: {  	[smem:$0x3FAF] =	sst s1  }
0xa: {  	[smem:$0x3FB0] =	sst s2  }
0xb: {  	[smem:$0x3FB1] =	sst s3  }
0xc: {  	[smem:$0x3FB2] =	sst s4  }
0xd: {  	[smem:$0x3FB3] =	sst s5  }
0xe: {  	[smem:$0x3FB4] =	sst s6  }
0xf: {  	[smem:$0x3FB5] =	sst s7  }
0x10: {  	[smem:$0x3FB6] =	sst s8  }
0x11: {  	[smem:$0x3FB7] =	sst s9;
	s0 =	simm.s32 @!p0 $0x0  }
0x12: {  	s1 =	sld [smem:$0x3F9D];
	s0 =	simm.s32 @p0 $0x1  }
0x13: {  	[smem:$0x3FB8] =	sst s0;
	s0 =	simm.s32 @!p1 $0x0  }
0x14: {  	s2 =	sld [smem:$0x3F9C];
	s0 =	simm.s32 @p1 $0x1  }
0x15: {  	[smem:$0x3FB9] =	sst s0;
	s0 =	simm.s32 @!p2 $0x0  }
0x16: {  	s3 =	sld [smem:$0x3FDB];
	s0 =	simm.s32 @p2 $0x1  }
0x17: {  	s4 =	simm.s32 $0x1BF5;
	[smem:$0x3FBB] =	sst s0  }
0x18: {  	s0 =	sld [smem:$0x3F9E];
	_ =	swait.ge [sflag:s4], $0x0  }
0x19: {  	s7 =	sld [smem:$0x3F9F]  }
0x1a: {  	s8 =	sadd.s32 $0xFFFFE003, lr  }
0x1b: {  	s9 =	sadd.s32 $0xFFFFFEF7, lr;
	s5 =	simm.s32 $0xFFFFFFFF;
	p2 =	slt.u32 s8, $0xFFFFF086  }
0x1c: {  	p1 =	slt.u32 s9, $0xF7A;
	s5 =	simm.s32 @!p2 $0x0  }
0x1d: {  	s5 =	simm.s32 @p1 $0x1;
	p0 =	seq.s32 s7, s2  }
0x1e: {  	s7 =	smul.u32 @!p0 $0xF7A, s2;
	p2 =	seq.s32 @!p0 s5, $0x0  }
0x1f: {  	s9 =	smul.u32 $0xF7A, s1;
	s8 =	simm.s32 @!p0 $0x1BF5;
	p2 =	por !p2, p0  }
0x20: {  	[sflag:s8] =	ssyncset.s32 @!p0 $0xFFFFF086;
	s6 =	sadd.s32 @!p0 s3, s7;
	s7 =	simm.s32 @!p0 $0x108  }
0x21: {  	s3 =	sadd.s32 s3, s9;
	s6 =	sadd.s32 @!p0 $0x88, s6;
	s7 =	simm.s32 @p2 $0x1082  }
0x22: {  	[simem:s7], [sflag:s8] =	dma.local @!p0 [hbm:s6], $0xF7A  }
0x23: {  	s9 =	sor.u32 $0xD0000000, s2;
	s6 =	simm.s32 $0x108;
	_ =	swait.ge @!p0 [sflag:s8], $0x0  }
0x24: {  	s3 =	sadd.s32 $0x88, s3;
	s6 =	simm.s32 @!p1 $0x1082;
	[sflag:s4] =	ssyncset.s32 $0xFFFFF086  }
0x25: {  	[simem:s6], [sflag:s4] =	dma.local [hbm:s3], $0xF7A  }
0x26: {  	[smem:$0x3F9F] =	sst s1;
	(tag) =	ssettag s2;
	_ =	strace s9  }
0x27: {  	s1 =	sld [smem:$0x3FAF]  }
0x28: {  	s2 =	sld [smem:$0x3FB0]  }
0x29: {  	s4 =	sld [smem:$0x3FB2]  }
0x2a: {  	p0 =	seq.s32 s5, $0x0;
	s5 =	sld [smem:$0x3FB3]  }
0x2b: {  	s6 =	sld [smem:$0x3FB4]  }
0x2c: {  	s7 =	sld [smem:$0x3FB5]  }
0x2d: {  	s3 =	simm.s32 $0x108;
	s8 =	sld [smem:$0x3FB6]  }
0x2e: {  	s3 =	simm.s32 @!p0 $0x1082;
	s9 =	sld [smem:$0x3FB7]  }
0x2f: {  	lr =	sadd.s32 s0, s3;
	s0 =	sld [smem:$0x3FAE]  }
0x30: {  	s3 =	sld [smem:$0x3FB1]  }
0x31: {  	[smem:$0x3FBA] =	sst s10  }
0x32: {  	s10 =	sld [smem:$0x3FB8];
	_ =	sdelay $0x3  }
0x33: {  	p0 =	seq.s32 s10, $0x1;
	s10 =	sld [smem:$0x3FBA];
	_ =	sdelay $0x3  }
0x34: {  	[smem:$0x3FBA] =	sst s10  }
0x35: {  	s10 =	sld [smem:$0x3FB9];
	_ =	sdelay $0x3  }
0x36: {  	p1 =	seq.s32 s10, $0x1;
	s10 =	sld [smem:$0x3FBA];
	_ =	sdelay $0x3  }
0x37: {  	[smem:$0x3FBA] =	sst s10  }
0x38: {  	s10 =	sld [smem:$0x3FBB]  }
0x39: {  	_ = 	snop;
	(pc) =	sbr.ind lr, $3  }
0x3a: {  	_ = 	snop  }
0x3b: {  	_ = 	snop  }
0x3c: {  	p2 =	seq.s32 s10, $0x1;
	s10 =	sld [smem:$0x3FBA]  }
0x3d: {  	_ =	shalt  }
0x3e: {  	_ =	shalt  }
0x3f: {  	_ =	shalt  }
0x40: {  	_ =	shalt  }
0x41: {  	_ =	shalt  }
0x42: {  	_ =	shalt  }
0x43: {  	_ =	shalt  }
0x44: {  	_ =	shalt  }
0x45: {  	_ =	shalt  }
0x46: {  	_ =	shalt  }
0x47: {  	_ =	shalt  }
0x48: {  	_ =	shalt  }
0x49: {  	_ =	shalt  }
0x4a: {  	_ =	shalt  }
0x4b: {  	_ =	shalt  }
0x4c: {  	_ =	shalt  }
0x4d: {  	_ =	shalt  }
0x4e: {  	_ =	shalt  }
0x4f: {  	_ =	shalt  }
0x50: {  	_ =	shalt  }
0x51: {  	_ =	shalt  }
0x52: {  	_ =	shalt  }
0x53: {  	_ =	shalt  }
0x54: {  	_ =	shalt  }
0x55: {  	_ =	shalt  }
0x56: {  	_ =	shalt  }
0x57: {  	_ =	shalt  }
0x58: {  	_ =	shalt  }
0x59: {  	_ =	shalt  }
0x5a: {  	_ =	shalt  }
0x5b: {  	_ =	shalt  }
0x5c: {  	_ =	shalt  }
0x5d: {  	_ =	shalt  }
0x5e: {  	_ =	shalt  }
0x5f: {  	_ =	shalt  }
0x60: {  	_ =	shalt  }
0x61: {  	_ =	shalt  }
0x62: {  	_ =	shalt  }
0x63: {  	_ =	shalt  }
0x64: {  	_ =	shalt  }
0x65: {  	_ =	shalt  }
0x66: {  	_ =	shalt  }
0x67: {  	_ =	shalt  }
0x68: {  	_ =	shalt  }
0x69: {  	_ =	shalt  }
0x6a: {  	_ =	shalt  }
0x6b: {  	_ =	shalt  }
0x6c: {  	_ =	shalt  }
0x6d: {  	_ =	shalt  }
0x6e: {  	_ =	shalt  }
0x6f: {  	_ =	shalt  }
0x70: {  	_ =	shalt  }
0x71: {  	_ =	shalt  }
0x72: {  	_ =	shalt  }
0x73: {  	_ =	shalt  }
0x74: {  	_ =	shalt  }
0x75: {  	_ =	shalt  }
0x76: {  	_ =	shalt  }
0x77: {  	_ =	shalt  }
0x78: {  	_ =	shalt  }
0x79: {  	_ =	shalt  }
0x7a: {  	_ =	shalt  }
0x7b: {  	_ =	shalt  }
0x7c: {  	_ =	shalt  }
0x7d: {  	_ =	shalt  }
0x7e: {  	_ =	shalt  }
0x7f: {  	_ =	shalt  }
0x80: {  	_ =	shalt  }
0x81: {  	_ =	shalt  }
0x82: {  	_ =	shalt  }
0x83: {  	_ =	shalt  }
0x84: {  	_ =	shalt  }
0x85: {  	_ =	shalt  }
0x86: {  	_ =	shalt  }
0x87: {  	_ =	shalt  }
.Lfunc_end0:
.L_simem_size_0:
called_computation_lowered:
.L_overlay_start_0:
0x88: {  	s2 =	sld [smem:$0x3FD9]  }
0x89: {  	s3 =	sld [smem:$0x3FFE];
	_ =	sdelay $0x1  }
0x8a: {  	s1 =	srdreg.scid  }
0x8b: {  	s0 =	sand.u32 $0x1, s1  }
0x8c: {  	s17 =	sshll.u32 s0, $0xA;
	s2 =	sadd.s32 s3, s2  }
0x8d: {  	s2 =	sadd.s32 s2, s17  }
0x8e: {  	[smem:$0x3FC6] =	sst s2  }
0x8f: {  	_ = 	snop  }
0x90: {  	s2 =	sld [smem:$0x3FC8];
	(tm) =	ssettm $0x1  }
0x91: {  	s18 =	sld [smem:$0x3FFB];
	_ =	sdelay $0x3  }
0x92: {  	_ =	strace s18  }
0x93: {  	s3 =	sld [smem:$0x3FFC];
	_ =	sdelay $0x3  }
0x94: {  	_ =	strace s3  }
0x95: {  	s3 =	sld [smem:$0x3FFD];
	_ =	sdelay $0x3  }
0x96: {  	_ =	strace s3  }
0x97: {  	_ =	strace $0x8FFFFFFF  }
0x98: {  	s19 =	sld [smem:$0x3FDB];
	_ =	sdelay $0x1  }
0x99: {  	s4 =	simm.s32 $_scs_section_size  }
0x9a: {  	s5 =	simm.s32 $_size__tile_overlayer_lowered;
	s6 =	simm.s32 $_tile_overlayer_lowered  }
0x9b: {  	s22 =	simm.s32 $0x1BFF;
	s21 =	sshll.u32 s6, $0x1;
	s3 =	sadd.s32 s4, s19  }
0x9c: {  	s7 =	simm.s32 $0x0;
	s20 =	sshll.u32 s5, $0x1;
	s5 =	sadd.s32 s21, s3  }
0x9d: {  	[timem:s7], [sflag:s22] =	dma.local [hbm:s5], s20  }
0x9e: {  	_ =	swait.ge [sflag:s22], s20  }
0x9f: {  	s4 =	ssub.s32 $0x0, s20;
	[sflag:s22] =	ssyncset.done $0x0  }
0xa0: {  	[sflag:s22] =	ssyncadd.s32 s4;
	_ =	sdelay $0x1  }
0xa1: {  	s23 =	simm.s32 $0x1B8B  }
0xa2: {  	_ =	swait.ge [sflag:s23], $0x1  }
0xa3: {  	[sflag:s23] =	ssyncset.done $0x0  }
0xa4: {  	s25 =	simm.s32 $0x1B8E;
	s24 =	sld [smem:$0x3FFE];
	[sflag:s23] =	ssyncadd.s32 $0xFFFFFFFF  }
0xa5: {  	s26 =	simm.s32 $execute0_lowered;
	[smem:$0x3FD2] =	sst s25  }
0xa6: {  	s5 =	sshll.u32 s26, $0x1;
	_ =	strace $0x80000046;
	[dreg:$0x1] =	wrdreg $0xFFFFFFFF  }
0xa7: {  	s28 =	simm.s32 $_size_execute0_lowered;
	s3 =	sadd.s32 s3, s5;
	[dreg:$0x0] =	wrdreg $0x0  }
0xa8: {  	s5 =	sshll.u32 s28, $0x1;
	[dreg:$0x2] =	wrdreg s3  }
0xa9: {  	[dreg:$0x3] =	wrdreg s5  }
0xaa: {  	[dreg:$0x4] =	wrdreg $0xC0  }
0xab: {  	_ =	task [dreg:s7], $0x5FFFF  }
0xac: {  	[dreg:$0x1] =	wrdreg $0xFFFFFFFF  }
0xad: {  	[dreg:$0x0] =	wrdreg $0x60  }
0xae: {  	[dreg:$0x2] =	wrdreg s24  }
0xaf: {  	[dreg:$0x3] =	wrdreg s2  }
0xb0: {  	[dreg:$0x4] =	wrdreg $0x9  }
0xb1: {  	_ =	task.clear_ibuf [dreg:s7], $0x5FFFF;
	_ =	strace $0x90000046  }
0xb2: {  	s29 =	simm.s32 $0x9;
	_ =	strace $0x80000048  }
0xb3: {  	_ =	swait.ge [sflag:s29], $0x1  }
0xb4: {  	[sflag:s29] =	ssyncadd.s32 $0xFFFFFFFF  }
0xb5: {  	_ =	strace $0x90000048  }
0xb6: {  	_ =	sfence  }
0xb7: {  	s30 =	sld [smem:$0x0];
	_ =	sdelay $0x2  }
0xb8: {  	s31 =	sshll.u32 s1, $0xD;
	s1 =	sshrl.u32 s1, $0x2  }
0xb9: {  	s3 =	sand.u32 $0x4000, s31;
	s1 =	sadd.s32 s1, s30  }
0xba: {  	s0 =	sor.u32 s3, s0;
	s1 =	sshll.u32 s1, $0x11  }
0xbb: {  	s0 =	sor.u32 s1, s0  }
0xbc: {  	s0 =	sadd.s32 $0x8F2B, s0  }
0xbd: {  	[sflag:s0] =	ssyncadd.remote.s32 $0x1  }
0xbe: {  	_ =	sfence.sel $0xFFFF  }
0xbf: {  	[dreg:$0x0] =	wrdreg $0xFFFFFFFF;
	(pc) =	sbr.abs _section_cstart, $3  }
0xc0: {  	[dreg:$0x1] =	wrdreg $0xFFFFFFFF  }
0xc1: {  	_ =	task.clear_ibuf [dreg:s7], $0x2FFFF;
	_ =	strace $0x9FFFFFFF  }
0xc2: {  	(tm) =	ssettm $0x7FFFFFFF  }
0xc3: {  	_ =	shalt  }
tec
execute0_lowered:
.L_overlay_start_1:
0x0: {  	(tag) =	ssettag $0x1  }
0x1: {  	s1 =	srdreg.scid  }
0x2: {  	s10 =	rddreg [dreg:$0x0];
	s0 =	stileid.u32;
	s6 =	sand.u32 $0x1, s1  }
0x3: {  	s3 =	rddreg [dreg:$0x1];
	s4 =	sshll.u32 s0, $0x6;
	s5 =	sshll.u32 s6, $0x5  }
0x4: {  	s2 =	simm.s32 $0x0;
	s1 =	rddreg [dreg:$0x2];
	s11 =	sor.u32 s5, s4  }
0x5: {  	[smem:$0x7FF] =	sst s2;
	s4 =	sshrl.u32 s11, $0x3  }
0x6: {  	_ =	strace $0x80000047;
	s4 =	sadd.s32 s3, s4;
	s3 =	simm.s32 $0x2  }
0x7: {  	[tilespmem:s2], [sflag:$0x2] =	stream.linear.gather [hbm4b:s4+s2], $0x20, $0x38;
	[tilespmem:$0x1100] =	vst v63  }
0x8: {  	_ =	swait.ge [sflag:s3], $0x20  }
0x9: {  	[sflag:s3] =	ssyncset.done $0x0  }
0xa: {  	v0 =	vmov s11;
	s5 =	sor.u32 $0x10, s11;
	[sflag:s3] =	ssyncadd.s32 $0xFFFFFFE0  }
0xb: {  	v0 =	vmul.u32 $0x186A0, v0;
	v1 =	vmov s5;
	v2 =	vld [tilespmem:$0x0]  }
0xc: {  	v3 =	vlaneseq.u32;
	v1 =	vmul.u32 $0x186A0, v1;
	v4 =	vld [tilespmem:$0x10]  }
0xd: {  	v3 =	vmul.u32 $0x186A0, v3;
	v0 =	vbroadcast v0, $0x0  }
0xe: {  	v1 =	vbroadcast v1, $0x0  }
0xf: {  	s12 =	ssub.s32 $0x2, s6;
	v0 =	vadd.s32 v3, v0  }
0x10: {  	s7 =	simm.s32 $0x80;
	s13 =	sshrl.u32 s12, $0x1;
	v1 =	vadd.s32 v3, v1;
	v2 =	vadd.s32 v2, v0  }
0x11: {  	s8 =	simm.s32 $0x100;
	s11 =	sshll.u32 s11, $0x4;
	s31 =	ssub.s32 s12, s13;
	v3 =	vadd.s32 v4, v1;
	v2 =	vshra.s32 v2, $0x7  }
0x12: {  	s5 =	sadd.s32 $0xC38400, s10;
	s10 =	sadd.s32 s11, s10;
	s11 =	smax.u32 s31, $0x1;
	[tilespmem:$0x80] =	vst v2;
	v2 =	vshra.s32 v3, $0x7  }
0x13: {  	s9 =	simm.s32 $0x1;
	s6 =	simm.s32 $0x20;
	p0 =	sne.s32 s11, $0x1;
	[tilespmem:$0x90] =	vst v2  }
0x14: {  	[tilespmem:s8], [sflag:$0x1] =	stream.indirect.gather [hbm4b:s5+s6], $0x80, s7, s6, $0xb8;
	[tilespmem:$0x1100] =	vst v63  }
.Ltmp0:
0x15: {  	_ =	swait.ge [sflag:s9], $0x1000;
	(pc) =	sbr.rel @!p0 .LBB2_2-.Ltmp0, $4  }
0x16: {  	[sflag:s9] =	ssyncset.done $0x0  }
0x17: {  	s10 =	sadd.s32 $0x186D400, s10;
	[sflag:s9] =	ssyncadd.s32 $0xFFFFF000  }
0x18: {  	[hbm4b:s10+s2] =	stream.linear.scatter [tilespmem:s8], [sflag:$0x2], $0x1000, $0x38;
	[tilespmem:$0x1100] =	vst v63  }
0x19: {  	s11 =	sadd.s32 $0xFFFFFFFF, s11;
	_ =	swait.ge [sflag:s3], $0x1000  }
.LBB2_1:
0x1a: {  	p0 =	sne.s32 s11, $0x1;
	s11 =	sadd.s32 $0xFFFFFFFF, s11;
	[sflag:s3] =	ssyncset.done $0x0  }
0x1b: {  	[sflag:s3] =	ssyncadd.s32 $0xFFFFF000  }
0x1c: {  	[tilespmem:s2], [sflag:$0x2] =	stream.linear.gather [hbm4b:s4+s2], $0x20, $0x38;
	[tilespmem:$0x1100] =	vst v63  }
0x1d: {  	_ =	swait.ge [sflag:s3], $0x20  }
0x1e: {  	[sflag:s3] =	ssyncset.done $0x0  }
0x1f: {  	[sflag:s3] =	ssyncadd.s32 $0xFFFFFFE0  }
0x20: {  	v2 =	vld [tilespmem:$0x0]  }
0x21: {  	v3 =	vld [tilespmem:$0x10];
	_ =	sdelay $0x3  }
0x22: {  	v2 =	vadd.s32 v2, v0  }
0x23: {  	v2 =	vshra.s32 v2, $0x7;
	v3 =	vadd.s32 v3, v1  }
0x24: {  	[tilespmem:$0x80] =	vst v2;
	v2 =	vshra.s32 v3, $0x7  }
0x25: {  	[tilespmem:$0x90] =	vst v2  }
0x26: {  	[tilespmem:s8], [sflag:$0x1] =	stream.indirect.gather [hbm4b:s5+s6], $0x80, s7, s6, $0xb8;
	[tilespmem:$0x1100] =	vst v63  }
.Ltmp1:
0x27: {  	_ =	swait.ge [sflag:s9], $0x1000;
	(pc) =	sbr.rel @p0 .LBB2_1-.Ltmp1, $4  }
0x28: {  	[sflag:s9] =	ssyncset.done $0x0  }
0x29: {  	[sflag:s9] =	ssyncadd.s32 $0xFFFFF000  }
0x2a: {  	[hbm4b:s10+s2] =	stream.linear.scatter [tilespmem:s8], [sflag:$0x2], $0x1000, $0x38;
	[tilespmem:$0x1100] =	vst v63  }
0x2b: {  	_ =	swait.ge [sflag:s3], $0x1000  }
.LBB2_2:
0x2c: {  	[sflag:s3] =	ssyncset.done $0x0  }
0x2d: {  	[sflag:s3] =	ssyncadd.s32 $0xFFFFF000  }
0x2e: {  	_ =	sfence.sel $0x180000  }
0x2f: {  	[bflag:$0x0] =	sbarrier.arrive $0xFFFF  }
0x30: {  	p0 =	sne.s32 s0, $0x0;
	_ =	strace $0x90000047  }
0x31: {  	s0 =	sadd.s32 @!p0 $0x100000, s1;
	[bflag:$0x2] =	sbarrier.arrive $0xFFFF  }
0x32: {  	[sflag:s0] =	ssyncadd.tile.s32 @!p0 $0x1;
	_ =	shalt  }
.Lfunc_end2:
_tile_overlayer_lowered:
.L_overlay_start_2:
0x33: {  	(tag) =	ssettag $0x2  }
0x34: {  	s0 =	rddreg [dreg:$0x0];
	s2 =	stileid.u32  }
0x35: {  	s1 =	rddreg [dreg:$0x1];
	p0 =	sne.s32 s2, $0x0  }
0x36: {  	s3 =	rddreg [dreg:$0x2];
	[bflag:$0x3] =	sbarrier.arrive $0xFFFF;
	s2 =	simm.s32 @!p0 $0x1C02  }
0x37: {  	[timem:s3], [sflag:s2] =	dma.local @!p0 [hbm:s0], s1  }
0x38: {  	s0 =	simm.s32 @!p0 $0x2  }
0x39: {  	_ =	swait.ge @!p0 [sflag:s0], s1  }
0x3a: {  	s1 =	ssub.s32 @!p0 $0x0, s1;
	[sflag:s0] =	ssyncset.done @!p0 $0x0  }
0x3b: {  	[sflag:s0] =	ssyncadd.s32 @!p0 s1  }
0x3c: {  	[bflag:$0x3] =	sbarrier.arrive $0xFFFF  }
0x3d: {  	_ =	shalt  }

</sc_bundles>
